<compile_context>
chip_gen: v7x
topology: tpu7x:2x2x1
jax: 0.10.2.dev20260603
libtpu: 0.0.44.dev20260713+nightly
codegen_flags: <defaults>
</compile_context>

<pallas_src>
import functools

import jax
import jax.numpy as jnp
from jax import lax
from jax.experimental import pallas as pl
from jax.experimental.pallas import tpu as pltpu
from jax.experimental.pallas import tpu_sc as plsc

GRID = 16
N_CENTERS = 256
DIM = 512
BATCH = 4096

TCA_SHARE = 3584
TCA_BLOCK = 896
TCB_SHARE = 0
TCB_BLOCK = 512
TC_SHARE = TCA_SHARE + TCB_SHARE
SC_SHARE = BATCH - TC_SHARE

NC = 2
NS = 16
L = 16
NW = NC * NS
B_PER_W = SC_SHARE // NW
N_ACC = 8


def _make_sc_kernel():
    mesh = plsc.VectorSubcoreMesh(core_axis_name="c", subcore_axis_name="s")

    @functools.partial(
        pl.kernel,
        mesh=mesh,
        out_type=jax.ShapeDtypeStruct((1, NW * L), jnp.float32),
        scratch_types=[
            pltpu.VMEM((B_PER_W,), jnp.int32),
            pltpu.VMEM((B_PER_W,), jnp.int32),
            pltpu.VMEM((B_PER_W,), jnp.int32),
            pltpu.VMEM((B_PER_W, DIM), jnp.float32),
            pltpu.VMEM((B_PER_W, DIM), jnp.float32),
            pltpu.VMEM((L,), jnp.float32),
            pltpu.SemaphoreType.DMA,
            pltpu.SemaphoreType.DMA,
            pltpu.SemaphoreType.DMA,
        ],
    )
    def sc_loss(x_hbm, coords_hbm, centers_hbm, out_hbm,
                lon_v, lat_v, idx_v, x_buf, c_buf, acc_v,
                sem_a, sem_g, sem_x):
        wid = lax.axis_index("s") * NC + lax.axis_index("c")
        base = TC_SHARE + wid * B_PER_W
        cp_lon = pltpu.async_copy(coords_hbm.at[0, pl.ds(base, B_PER_W)],
                                  lon_v, sem_a)
        cp_lat = pltpu.async_copy(coords_hbm.at[1, pl.ds(base, B_PER_W)],
                                  lat_v, sem_g)
        cp_x = pltpu.async_copy(x_hbm.at[pl.ds(base, B_PER_W)], x_buf, sem_x)
        cp_lon.wait()
        cp_lat.wait()
        for j in range(B_PER_W // L):
            s = pl.ds(j * L, L)
            idx_v[s] = lon_v[s] * GRID + lat_v[s]
        cp_g = pltpu.async_copy(centers_hbm.at[idx_v], c_buf, sem_g)
        cp_g.wait()
        cp_x.wait()

        def body(t, acc):
            r = t // (DIM // (L * N_ACC))
            g0 = (t % (DIM // (L * N_ACC))) * N_ACC
            acc = list(acc)
            for j in range(N_ACC):
                s = pl.ds((g0 + j) * L, L)
                d = x_buf[r, s] - c_buf[r, s]
                acc[j] = acc[j] + d * d
            return tuple(acc)

        accs = lax.fori_loop(
            0, B_PER_W * (DIM // (L * N_ACC)), body,
            tuple(jnp.zeros((L,), jnp.float32) for _ in range(N_ACC)))

        total = accs[0]
        for a in accs[1:]:
            total = total + a
        acc_v[...] = total
        pltpu.sync_copy(acc_v, out_hbm.at[0, pl.ds(wid * L, L)])

    return sc_loss


_sc_loss = _make_sc_kernel()


def _make_tc_body(block, row0):
    def _tc_body(x_ref, coords_ref, centers_ref, out_ref):
        i = pl.program_id(0)
        lon = coords_ref[0, pl.ds(row0 + i * block, block)]
        lat = coords_ref[1, pl.ds(row0 + i * block, block)]
        idx = lon * GRID + lat
        onehot = jnp.where(
            jax.lax.broadcasted_iota(jnp.int32, (block, N_CENTERS), 1)
            == idx[:, None],
            jnp.float32(1.0), jnp.float32(0.0))
        g = jnp.dot(onehot.astype(jnp.bfloat16),
                    centers_ref[...].astype(jnp.bfloat16),
                    preferred_element_type=jnp.float32)
        d = x_ref[...] - g
        part = jnp.sum(d * d, axis=0, keepdims=True)

        @pl.when(i == 0)
        def _():
            out_ref[...] = jnp.zeros_like(out_ref)

        out_ref[...] += part

    return _tc_body


def _make_tc_loss(share, block, row0):
    return pl.pallas_call(
        _make_tc_body(block, row0),
        grid=(share // block,),
        in_specs=[
            pl.BlockSpec((block, DIM), lambda i, r=row0 // block: (r + i, 0)),
            pl.BlockSpec((2, BATCH), lambda i: (0, 0)),
            pl.BlockSpec((N_CENTERS, DIM), lambda i: (0, 0)),
        ],
        out_specs=pl.BlockSpec((1, DIM), lambda i: (0, 0)),
        out_shape=jax.ShapeDtypeStruct((1, DIM), jnp.float32),
    )


_tc_loss_a = _make_tc_loss(TCA_SHARE, TCA_BLOCK, 0)


def kernel(batch_tensors, batch_coords, cluster_centers):
    tca_cols = _tc_loss_a(batch_tensors, batch_coords, cluster_centers)
    sc_partials = _sc_loss(batch_tensors, batch_coords, cluster_centers)
    return jnp.sum(tca_cols + sc_partials) / jnp.float32(BATCH * DIM)

# --- scband reference (transcript-rebuilt; emitter-appended) ---
"""Pipeline reference for scband-center-loss-12378095747526 (READ-ONLY COPY).

The authoritative reference and input builder live on the scoring server;
editing this copy changes nothing except your own understanding.
"""

import jax, jax.numpy as jnp
import numpy as np

GRID = 16
N_CENTERS = 256
DIM = 512
BATCH = 4096


def setup_inputs(seed: int = 0) -> dict:
    key = jax.random.key(seed)
    k1, k2, k3 = jax.random.split(key, 3)
    batch_tensors = jax.random.normal(k1, (BATCH, DIM), dtype=jnp.float32)
    # batch_coords[0]=longitude, batch_coords[1]=latitude, values in [0, GRID)
    batch_coords = jax.random.randint(k2, (2, BATCH), 0, GRID, dtype=jnp.int32)
    # torch.rand(n_centers, dim) * n_centers / dim  (uniform buffer, treated as a learned table)
    cluster_centers = jax.random.uniform(k3, (N_CENTERS, DIM), dtype=jnp.float32) * (N_CENTERS / DIM)
    return {"batch_tensors": batch_tensors, "batch_coords": batch_coords, "cluster_centers": cluster_centers}


def reference(batch_tensors, batch_coords, cluster_centers):
    # center_table is the row-major grid [(0,0),(0,1),...,(15,15)], so
    # center_table.index((lon, lat)) == lon * GRID + lat
    lon = batch_coords[0]
    lat = batch_coords[1]
    idx = lon * GRID + lat
    centers = jnp.take(cluster_centers, idx, axis=0)  # gather: [BATCH, DIM]
    # nn.MSELoss() per sample reduces with mean over DIM; loop sums then divides by BATCH
    per_sample_mse = jnp.mean((batch_tensors - centers) ** 2, axis=1)
    loss = jnp.sum(per_sample_mse) / batch_tensors.shape[0]
    return loss

if __name__ == "__main__":
    import jax
    _d = setup_inputs()
    print(jax.jit(kernel)(*tuple(_d.values())))

</pallas_src>

<mosaic_0001>
#map = affine_map<(d0, d1) -> (0, 0)>
module attributes {stable_mosaic.version = 14 : i64} {
  func.func @sc_loss(%arg0: i32, %arg1: i32, %arg2: memref<4096x512xf32, #tpu.memory_space<hbm>>, %arg3: memref<2x4096xi32, #tpu.memory_space<hbm>>, %arg4: memref<256x512xf32, #tpu.memory_space<hbm>>, %arg5: memref<1x512xf32, #tpu.memory_space<hbm>>, %arg6: memref<16xi32, #tpu.memory_space<vmem>>, %arg7: memref<16xi32, #tpu.memory_space<vmem>>, %arg8: memref<16xi32, #tpu.memory_space<vmem>>, %arg9: memref<16x512xf32, #tpu.memory_space<vmem>>, %arg10: memref<16x512xf32, #tpu.memory_space<vmem>>, %arg11: memref<16xf32, #tpu.memory_space<vmem>>, %arg12: memref<!tpu.dma_semaphore, #tpu.memory_space<semaphore_mem>>, %arg13: memref<!tpu.dma_semaphore, #tpu.memory_space<semaphore_mem>>, %arg14: memref<!tpu.dma_semaphore, #tpu.memory_space<semaphore_mem>>) attributes {dimension_semantics = [#tpu.dimension_semantics<core_parallel>, #tpu.dimension_semantics<subcore_parallel>], iteration_bounds = array<i64: 2, 16>, scalar_prefetch = 0 : i64, scratch_operands = 9 : i64, tpu.core_type = #tpu.core_type<sc_vector_subcore>, window_params = [{transform_indices = #map}, {transform_indices = #map}, {transform_indices = #map}, {transform_indices = #map}]} {
    %mul3A = arith.constant 2 : i32
    %mul3A_0 = arith.muli %arg1, %mul3A : i32
    %add3A = arith.addi %mul3A_0, %arg0 : i32
    %mul3A_1 = arith.constant 16 : i32
    %mul3A_2 = arith.muli %add3A, %mul3A_1 : i32
    %add3A_3 = arith.constant 3584 : i32
    %add3A_4 = arith.addi %add3A_3, %mul3A_2 : i32
    %dma_start3A = arith.constant 0 : i32
    %dma_start3A_5 = tpu.memref_slice %arg3[%dma_start3A, %add3A_4] : memref<2x4096xi32, #tpu.memory_space<hbm>> -> memref<1x16xi32, #tpu.memory_space<hbm>>
    %dma_start3A_6 = tpu.memref_squeeze %dma_start3A_5 : memref<1x16xi32, #tpu.memory_space<hbm>> -> memref<16xi32, #tpu.memory_space<hbm>>
    %dma_start3A_7 = tpu.memref_slice %arg3[%dma_start3A, %add3A_4] : memref<2x4096xi32, #tpu.memory_space<hbm>> -> memref<1x16xi32, #tpu.memory_space<hbm>>
    %dma_start3A_8 = tpu.memref_squeeze %dma_start3A_7 : memref<1x16xi32, #tpu.memory_space<hbm>> -> memref<16xi32, #tpu.memory_space<hbm>>
    tpu.enqueue_dma source(%dma_start3A_8 : memref<16xi32, #tpu.memory_space<hbm>>) target(%arg6 : memref<16xi32, #tpu.memory_space<vmem>>) target_semaphore(%arg12 : memref<!tpu.dma_semaphore, #tpu.memory_space<semaphore_mem>>)
    %dma_start3A_9 = arith.constant 1 : i32
    %dma_start3A_10 = tpu.memref_slice %arg3[%dma_start3A_9, %add3A_4] : memref<2x4096xi32, #tpu.memory_space<hbm>> -> memref<1x16xi32, #tpu.memory_space<hbm>>
    %dma_start3A_11 = tpu.memref_squeeze %dma_start3A_10 : memref<1x16xi32, #tpu.memory_space<hbm>> -> memref<16xi32, #tpu.memory_space<hbm>>
    %dma_start3A_12 = tpu.memref_slice %arg3[%dma_start3A_9, %add3A_4] : memref<2x4096xi32, #tpu.memory_space<hbm>> -> memref<1x16xi32, #tpu.memory_space<hbm>>
    %dma_start3A_13 = tpu.memref_squeeze %dma_start3A_12 : memref<1x16xi32, #tpu.memory_space<hbm>> -> memref<16xi32, #tpu.memory_space<hbm>>
    tpu.enqueue_dma source(%dma_start3A_13 : memref<16xi32, #tpu.memory_space<hbm>>) target(%arg7 : memref<16xi32, #tpu.memory_space<vmem>>) target_semaphore(%arg13 : memref<!tpu.dma_semaphore, #tpu.memory_space<semaphore_mem>>)
    %dma_start3A_14 = arith.constant 0 : i32
    %dma_start3A_15 = tpu.memref_slice %arg2[%add3A_4, %dma_start3A_14] : memref<4096x512xf32, #tpu.memory_space<hbm>> -> memref<16x512xf32, #tpu.memory_space<hbm>>
    %dma_start3A_16 = arith.constant 0 : i32
    %dma_start3A_17 = tpu.memref_slice %arg2[%add3A_4, %dma_start3A_16] : memref<4096x512xf32, #tpu.memory_space<hbm>> -> memref<16x512xf32, #tpu.memory_space<hbm>>
    tpu.enqueue_dma source(%dma_start3A_17 : memref<16x512xf32, #tpu.memory_space<hbm>>) target(%arg9 : memref<16x512xf32, #tpu.memory_space<vmem>>) target_semaphore(%arg14 : memref<!tpu.dma_semaphore, #tpu.memory_space<semaphore_mem>>)
    %dma_wait3A = arith.constant 0 : i32
    %dma_wait3A_18 = tpu.memref_slice %arg3[%dma_wait3A, %add3A_4] : memref<2x4096xi32, #tpu.memory_space<hbm>> -> memref<1x16xi32, #tpu.memory_space<hbm>>
    %dma_wait3A_19 = tpu.memref_squeeze %dma_wait3A_18 : memref<1x16xi32, #tpu.memory_space<hbm>> -> memref<16xi32, #tpu.memory_space<hbm>>
    %dma_wait3A_20 = tpu.memref_slice %arg3[%dma_wait3A, %add3A_4] : memref<2x4096xi32, #tpu.memory_space<hbm>> -> memref<1x16xi32, #tpu.memory_space<hbm>>
    %dma_wait3A_21 = tpu.memref_squeeze %dma_wait3A_20 : memref<1x16xi32, #tpu.memory_space<hbm>> -> memref<16xi32, #tpu.memory_space<hbm>>
    tpu.wait_dma2 semaphore(%arg12 : memref<!tpu.dma_semaphore, #tpu.memory_space<semaphore_mem>>) src(%dma_wait3A_21 : memref<16xi32, #tpu.memory_space<hbm>>) dst(%arg6 : memref<16xi32, #tpu.memory_space<vmem>>)
    %dma_wait3A_22 = arith.constant 1 : i32
    %dma_wait3A_23 = tpu.memref_slice %arg3[%dma_wait3A_22, %add3A_4] : memref<2x4096xi32, #tpu.memory_space<hbm>> -> memref<1x16xi32, #tpu.memory_space<hbm>>
    %dma_wait3A_24 = tpu.memref_squeeze %dma_wait3A_23 : memref<1x16xi32, #tpu.memory_space<hbm>> -> memref<16xi32, #tpu.memory_space<hbm>>
    %dma_wait3A_25 = tpu.memref_slice %arg3[%dma_wait3A_22, %add3A_4] : memref<2x4096xi32, #tpu.memory_space<hbm>> -> memref<1x16xi32, #tpu.memory_space<hbm>>
    %dma_wait3A_26 = tpu.memref_squeeze %dma_wait3A_25 : memref<1x16xi32, #tpu.memory_space<hbm>> -> memref<16xi32, #tpu.memory_space<hbm>>
    tpu.wait_dma2 semaphore(%arg13 : memref<!tpu.dma_semaphore, #tpu.memory_space<semaphore_mem>>) src(%dma_wait3A_26 : memref<16xi32, #tpu.memory_space<hbm>>) dst(%arg7 : memref<16xi32, #tpu.memory_space<vmem>>)
    %get3A = arith.constant 0 : index
    %get3A_27 = tpu.vector_load %arg6[%get3A] {strides = array<i32>} : memref<16xi32, #tpu.memory_space<vmem>>, vector<16xi32>,
    %get3A_28 = vector.shape_cast %get3A_27 : vector<16xi32> to vector<16xi32>
    %mul3A_29 = arith.constant 16 : i32
    %mul3A_30 = vector.broadcast %mul3A_29 : i32 to vector<16xi32>
    %mul3A_31 = arith.muli %get3A_28, %mul3A_30 : vector<16xi32>
    %get3A_32 = arith.constant 0 : index
    %get3A_33 = tpu.vector_load %arg7[%get3A_32] {strides = array<i32>} : memref<16xi32, #tpu.memory_space<vmem>>, vector<16xi32>,
    %get3A_34 = vector.shape_cast %get3A_33 : vector<16xi32> to vector<16xi32>
    %add3A_35 = arith.addi %mul3A_31, %get3A_34 : vector<16xi32>
    %swap3A = arith.constant 0 : index
    %swap3A_36 = tpu.vector_load %arg8[%swap3A] {strides = array<i32>} : memref<16xi32, #tpu.memory_space<vmem>>, vector<16xi32>,
    %swap3A_37 = vector.shape_cast %swap3A_36 : vector<16xi32> to vector<16xi32>
    %swap3A_38 = vector.shape_cast %add3A_35 : vector<16xi32> to vector<16xi32>
    tpu.vector_store %arg8[%swap3A], %swap3A_38 {strides = array<i32>} : memref<16xi32, #tpu.memory_space<vmem>>, vector<16xi32>,
    %dma_start3A_39 = arith.constant 0 : i32
    %dma_start3A_40 = arith.constant 0 : i32
    %dma_start3A_41 = tpu.memref_slice %arg4[%dma_start3A_39, %dma_start3A_40] : memref<256x512xf32, #tpu.memory_space<hbm>> -> memref<256x512xf32, #tpu.memory_space<hbm>>
    tpu.enqueue_indirect_dma source(%dma_start3A_41 : memref<256x512xf32, #tpu.memory_space<hbm>>) target(%arg10 : memref<16x512xf32, #tpu.memory_space<vmem>>) offsets(%arg8 : memref<16xi32, #tpu.memory_space<vmem>>) semaphore(%arg13 : memref<!tpu.dma_semaphore, #tpu.memory_space<semaphore_mem>>)
    %dma_wait3A_42 = arith.constant 0 : i32
    %dma_wait3A_43 = arith.constant 0 : i32
    %dma_wait3A_44 = tpu.memref_slice %arg4[%dma_wait3A_42, %dma_wait3A_43] : memref<256x512xf32, #tpu.memory_space<hbm>> -> memref<256x512xf32, #tpu.memory_space<hbm>>
    tpu.wait_indirect_dma semaphore(%arg13 : memref<!tpu.dma_semaphore, #tpu.memory_space<semaphore_mem>>) src(%dma_wait3A_44 : memref<256x512xf32, #tpu.memory_space<hbm>>) dst(%arg10 : memref<16x512xf32, #tpu.memory_space<vmem>>)
    %dma_wait3A_45 = arith.constant 0 : i32
    %dma_wait3A_46 = tpu.memref_slice %arg2[%add3A_4, %dma_wait3A_45] : memref<4096x512xf32, #tpu.memory_space<hbm>> -> memref<16x512xf32, #tpu.memory_space<hbm>>
    %dma_wait3A_47 = arith.constant 0 : i32
    %dma_wait3A_48 = tpu.memref_slice %arg2[%add3A_4, %dma_wait3A_47] : memref<4096x512xf32, #tpu.memory_space<hbm>> -> memref<16x512xf32, #tpu.memory_space<hbm>>
    tpu.wait_dma2 semaphore(%arg14 : memref<!tpu.dma_semaphore, #tpu.memory_space<semaphore_mem>>) src(%dma_wait3A_48 : memref<16x512xf32, #tpu.memory_space<hbm>>) dst(%arg9 : memref<16x512xf32, #tpu.memory_space<vmem>>)
    %broadcast_in_dim3A = arith.constant 0.000000e+00 : f32
    %broadcast_in_dim3A_49 = vector.broadcast %broadcast_in_dim3A : f32 to vector<16xf32>
    %broadcast_in_dim3A_50 = arith.constant 0.000000e+00 : f32
    %broadcast_in_dim3A_51 = vector.broadcast %broadcast_in_dim3A_50 : f32 to vector<16xf32>
    %broadcast_in_dim3A_52 = arith.constant 0.000000e+00 : f32
    %broadcast_in_dim3A_53 = vector.broadcast %broadcast_in_dim3A_52 : f32 to vector<16xf32>
    %broadcast_in_dim3A_54 = arith.constant 0.000000e+00 : f32
    %broadcast_in_dim3A_55 = vector.broadcast %broadcast_in_dim3A_54 : f32 to vector<16xf32>
    %broadcast_in_dim3A_56 = arith.constant 0.000000e+00 : f32
    %broadcast_in_dim3A_57 = vector.broadcast %broadcast_in_dim3A_56 : f32 to vector<16xf32>
    %broadcast_in_dim3A_58 = arith.constant 0.000000e+00 : f32
    %broadcast_in_dim3A_59 = vector.broadcast %broadcast_in_dim3A_58 : f32 to vector<16xf32>
    %broadcast_in_dim3A_60 = arith.constant 0.000000e+00 : f32
    %broadcast_in_dim3A_61 = vector.broadcast %broadcast_in_dim3A_60 : f32 to vector<16xf32>
    %broadcast_in_dim3A_62 = arith.constant 0.000000e+00 : f32
    %broadcast_in_dim3A_63 = vector.broadcast %broadcast_in_dim3A_62 : f32 to vector<16xf32>
    %scan3A = arith.constant 0 : i32
    %scan3A_64 = arith.constant 64 : i32
    %scan3A_65 = arith.addi %scan3A, %scan3A_64 : i32
    %scan3A_66 = arith.constant 1 : i32
    %scan3A_67:8 = scf.for %scan3A_82 = %scan3A to %scan3A_65 step %scan3A_66 iter_args(%scan3A_83 = %broadcast_in_dim3A_49, %scan3A_84 = %broadcast_in_dim3A_51, %scan3A_85 = %broadcast_in_dim3A_53, %scan3A_86 = %broadcast_in_dim3A_55, %scan3A_87 = %broadcast_in_dim3A_57, %scan3A_88 = %broadcast_in_dim3A_59, %scan3A_89 = %broadcast_in_dim3A_61, %scan3A_90 = %broadcast_in_dim3A_63) -> (vector<16xf32>, vector<16xf32>, vector<16xf32>, vector<16xf32>, vector<16xf32>, vector<16xf32>, vector<16xf32>, vector<16xf32>)  : i32 {
      %jit3A = arith.constant 4 : i32
      %div3A = arith.divsi %scan3A_82, %jit3A : i32
      %sign3A = arith.constant 0 : i32
      %sign3A_91 = arith.cmpi sgt, %scan3A_82, %sign3A : i32
      %sign3A_92 = arith.extui %sign3A_91 : i1 to i32
      %sign3A_93 = arith.constant 0 : i32
      %sign3A_94 = arith.cmpi slt, %scan3A_82, %sign3A_93 : i32
      %sign3A_95 = arith.extui %sign3A_94 : i1 to i32
      %sign3A_96 = arith.subi %sign3A_92, %sign3A_95 : i32
      %sign3A_97 = arith.constant 0 : i32
      %sign3A_98 = arith.cmpi sgt, %jit3A, %sign3A_97 : i32
      %sign3A_99 = arith.extui %sign3A_98 : i1 to i32
      %sign3A_100 = arith.constant 0 : i32
      %sign3A_101 = arith.cmpi slt, %jit3A, %sign3A_100 : i32
      %sign3A_102 = arith.extui %sign3A_101 : i1 to i32
      %sign3A_103 = arith.subi %sign3A_99, %sign3A_102 : i32
      %ne3A = arith.cmpi ne, %sign3A_96, %sign3A_103 : i32
      %rem3A = arith.remsi %scan3A_82, %jit3A : i32
      %ne3A_104 = arith.constant 0 : i32
      %ne3A_105 = arith.cmpi ne, %rem3A, %ne3A_104 : i32
      %and3A = arith.andi %ne3A, %ne3A_105 : i1
      %sub3A = arith.constant 1 : i32
      %sub3A_106 = arith.subi %div3A, %sub3A : i32
      %select_n3A = arith.select %and3A, %sub3A_106, %div3A : i32
      %jit3A_107 = arith.constant 4 : i32
      %eq3A = arith.constant 0 : i32
      %eq3A_108 = arith.cmpi eq, %jit3A_107, %eq3A : i32
      %jit3A_109 = arith.constant 1 : i32
      %select_n3A_110 = arith.select %eq3A_108, %jit3A_109, %jit3A_107 : i32
      %rem3A_111 = arith.remsi %scan3A_82, %select_n3A_110 : i32
      %ne3A_112 = arith.constant 0 : i32
      %ne3A_113 = arith.cmpi ne, %rem3A_111, %ne3A_112 : i32
      %lt3A = arith.constant 0 : i32
      %lt3A_114 = arith.cmpi slt, %rem3A_111, %lt3A : i32
      %lt3A_115 = arith.constant 0 : i32
      %lt3A_116 = arith.cmpi slt, %select_n3A_110, %lt3A_115 : i32
      %ne3A_117 = arith.xori %lt3A_114, %lt3A_116 : i1
      %and3A_118 = arith.andi %ne3A_117, %ne3A_113 : i1
      %add3A_119 = arith.addi %rem3A_111, %select_n3A_110 : i32
      %select_n3A_120 = arith.select %and3A_118, %add3A_119, %rem3A_111 : i32
      %mul3A_121 = arith.constant 8 : i32
      %mul3A_122 = arith.muli %select_n3A_120, %mul3A_121 : i32
      %add3A_123 = arith.constant 0 : i32
      %add3A_124 = arith.addi %mul3A_122, %add3A_123 : i32
      %mul3A_125 = arith.constant 16 : i32
      %mul3A_126 = arith.muli %add3A_124, %mul3A_125 : i32
      %get3A_127 = arith.index_cast %select_n3A : i32 to index
      %get3A_128 = arith.index_cast %mul3A_126 : i32 to index
      %get3A_129 = tpu.vector_load %arg9[%get3A_127, %get3A_128] {strides = array<i32>} : memref<16x512xf32, #tpu.memory_space<vmem>>, vector<1x16xf32>,
      %get3A_130 = vector.shape_cast %get3A_129 : vector<1x16xf32> to vector<16xf32>
      %get3A_131 = arith.index_cast %select_n3A : i32 to index
      %get3A_132 = arith.index_cast %mul3A_126 : i32 to index
      %get3A_133 = tpu.vector_load %arg10[%get3A_131, %get3A_132] {strides = array<i32>} : memref<16x512xf32, #tpu.memory_space<vmem>>, vector<1x16xf32>,
      %get3A_134 = vector.shape_cast %get3A_133 : vector<1x16xf32> to vector<16xf32>
      %sub3A_135 = arith.subf %get3A_130, %get3A_134 : vector<16xf32>
      %mul3A_136 = arith.mulf %sub3A_135, %sub3A_135 : vector<16xf32>
      %add3A_137 = arith.addf %scan3A_83, %mul3A_136 : vector<16xf32>
      %add3A_138 = arith.constant 1 : i32
      %add3A_139 = arith.addi %mul3A_122, %add3A_138 : i32
      %mul3A_140 = arith.constant 16 : i32
      %mul3A_141 = arith.muli %add3A_139, %mul3A_140 : i32
      %get3A_142 = arith.index_cast %select_n3A : i32 to index
      %get3A_143 = arith.index_cast %mul3A_141 : i32 to index
      %get3A_144 = tpu.vector_load %arg9[%get3A_142, %get3A_143] {strides = array<i32>} : memref<16x512xf32, #tpu.memory_space<vmem>>, vector<1x16xf32>,
      %get3A_145 = vector.shape_cast %get3A_144 : vector<1x16xf32> to vector<16xf32>
      %get3A_146 = arith.index_cast %select_n3A : i32 to index
      %get3A_147 = arith.index_cast %mul3A_141 : i32 to index
      %get3A_148 = tpu.vector_load %arg10[%get3A_146, %get3A_147] {strides = array<i32>} : memref<16x512xf32, #tpu.memory_space<vmem>>, vector<1x16xf32>,
      %get3A_149 = vector.shape_cast %get3A_148 : vector<1x16xf32> to vector<16xf32>
      %sub3A_150 = arith.subf %get3A_145, %get3A_149 : vector<16xf32>
      %mul3A_151 = arith.mulf %sub3A_150, %sub3A_150 : vector<16xf32>
      %add3A_152 = arith.addf %scan3A_84, %mul3A_151 : vector<16xf32>
      %add3A_153 = arith.constant 2 : i32
      %add3A_154 = arith.addi %mul3A_122, %add3A_153 : i32
      %mul3A_155 = arith.constant 16 : i32
      %mul3A_156 = arith.muli %add3A_154, %mul3A_155 : i32
      %get3A_157 = arith.index_cast %select_n3A : i32 to index
      %get3A_158 = arith.index_cast %mul3A_156 : i32 to index
      %get3A_159 = tpu.vector_load %arg9[%get3A_157, %get3A_158] {strides = array<i32>} : memref<16x512xf32, #tpu.memory_space<vmem>>, vector<1x16xf32>,
      %get3A_160 = vector.shape_cast %get3A_159 : vector<1x16xf32> to vector<16xf32>
      %get3A_161 = arith.index_cast %select_n3A : i32 to index
      %get3A_162 = arith.index_cast %mul3A_156 : i32 to index
      %get3A_163 = tpu.vector_load %arg10[%get3A_161, %get3A_162] {strides = array<i32>} : memref<16x512xf32, #tpu.memory_space<vmem>>, vector<1x16xf32>,
      %get3A_164 = vector.shape_cast %get3A_163 : vector<1x16xf32> to vector<16xf32>
      %sub3A_165 = arith.subf %get3A_160, %get3A_164 : vector<16xf32>
      %mul3A_166 = arith.mulf %sub3A_165, %sub3A_165 : vector<16xf32>
      %add3A_167 = arith.addf %scan3A_85, %mul3A_166 : vector<16xf32>
      %add3A_168 = arith.constant 3 : i32
      %add3A_169 = arith.addi %mul3A_122, %add3A_168 : i32
      %mul3A_170 = arith.constant 16 : i32
      %mul3A_171 = arith.muli %add3A_169, %mul3A_170 : i32
      %get3A_172 = arith.index_cast %select_n3A : i32 to index
      %get3A_173 = arith.index_cast %mul3A_171 : i32 to index
      %get3A_174 = tpu.vector_load %arg9[%get3A_172, %get3A_173] {strides = array<i32>} : memref<16x512xf32, #tpu.memory_space<vmem>>, vector<1x16xf32>,
      %get3A_175 = vector.shape_cast %get3A_174 : vector<1x16xf32> to vector<16xf32>
      %get3A_176 = arith.index_cast %select_n3A : i32 to index
      %get3A_177 = arith.index_cast %mul3A_171 : i32 to index
      %get3A_178 = tpu.vector_load %arg10[%get3A_176, %get3A_177] {strides = array<i32>} : memref<16x512xf32, #tpu.memory_space<vmem>>, vector<1x16xf32>,
      %get3A_179 = vector.shape_cast %get3A_178 : vector<1x16xf32> to vector<16xf32>
      %sub3A_180 = arith.subf %get3A_175, %get3A_179 : vector<16xf32>
      %mul3A_181 = arith.mulf %sub3A_180, %sub3A_180 : vector<16xf32>
      %add3A_182 = arith.addf %scan3A_86, %mul3A_181 : vector<16xf32>
      %add3A_183 = arith.constant 4 : i32
      %add3A_184 = arith.addi %mul3A_122, %add3A_183 : i32
      %mul3A_185 = arith.constant 16 : i32
      %mul3A_186 = arith.muli %add3A_184, %mul3A_185 : i32
      %get3A_187 = arith.index_cast %select_n3A : i32 to index
      %get3A_188 = arith.index_cast %mul3A_186 : i32 to index
      %get3A_189 = tpu.vector_load %arg9[%get3A_187, %get3A_188] {strides = array<i32>} : memref<16x512xf32, #tpu.memory_space<vmem>>, vector<1x16xf32>,
      %get3A_190 = vector.shape_cast %get3A_189 : vector<1x16xf32> to vector<16xf32>
      %get3A_191 = arith.index_cast %select_n3A : i32 to index
      %get3A_192 = arith.index_cast %mul3A_186 : i32 to index
      %get3A_193 = tpu.vector_load %arg10[%get3A_191, %get3A_192] {strides = array<i32>} : memref<16x512xf32, #tpu.memory_space<vmem>>, vector<1x16xf32>,
      %get3A_194 = vector.shape_cast %get3A_193 : vector<1x16xf32> to vector<16xf32>
      %sub3A_195 = arith.subf %get3A_190, %get3A_194 : vector<16xf32>
      %mul3A_196 = arith.mulf %sub3A_195, %sub3A_195 : vector<16xf32>
      %add3A_197 = arith.addf %scan3A_87, %mul3A_196 : vector<16xf32>
      %add3A_198 = arith.constant 5 : i32
      %add3A_199 = arith.addi %mul3A_122, %add3A_198 : i32
      %mul3A_200 = arith.constant 16 : i32
      %mul3A_201 = arith.muli %add3A_199, %mul3A_200 : i32
      %get3A_202 = arith.index_cast %select_n3A : i32 to index
      %get3A_203 = arith.index_cast %mul3A_201 : i32 to index
      %get3A_204 = tpu.vector_load %arg9[%get3A_202, %get3A_203] {strides = array<i32>} : memref<16x512xf32, #tpu.memory_space<vmem>>, vector<1x16xf32>,
      %get3A_205 = vector.shape_cast %get3A_204 : vector<1x16xf32> to vector<16xf32>
      %get3A_206 = arith.index_cast %select_n3A : i32 to index
      %get3A_207 = arith.index_cast %mul3A_201 : i32 to index
      %get3A_208 = tpu.vector_load %arg10[%get3A_206, %get3A_207] {strides = array<i32>} : memref<16x512xf32, #tpu.memory_space<vmem>>, vector<1x16xf32>,
      %get3A_209 = vector.shape_cast %get3A_208 : vector<1x16xf32> to vector<16xf32>
      %sub3A_210 = arith.subf %get3A_205, %get3A_209 : vector<16xf32>
      %mul3A_211 = arith.mulf %sub3A_210, %sub3A_210 : vector<16xf32>
      %add3A_212 = arith.addf %scan3A_88, %mul3A_211 : vector<16xf32>
      %add3A_213 = arith.constant 6 : i32
      %add3A_214 = arith.addi %mul3A_122, %add3A_213 : i32
      %mul3A_215 = arith.constant 16 : i32
      %mul3A_216 = arith.muli %add3A_214, %mul3A_215 : i32
      %get3A_217 = arith.index_cast %select_n3A : i32 to index
      %get3A_218 = arith.index_cast %mul3A_216 : i32 to index
      %get3A_219 = tpu.vector_load %arg9[%get3A_217, %get3A_218] {strides = array<i32>} : memref<16x512xf32, #tpu.memory_space<vmem>>, vector<1x16xf32>,
      %get3A_220 = vector.shape_cast %get3A_219 : vector<1x16xf32> to vector<16xf32>
      %get3A_221 = arith.index_cast %select_n3A : i32 to index
      %get3A_222 = arith.index_cast %mul3A_216 : i32 to index
      %get3A_223 = tpu.vector_load %arg10[%get3A_221, %get3A_222] {strides = array<i32>} : memref<16x512xf32, #tpu.memory_space<vmem>>, vector<1x16xf32>,
      %get3A_224 = vector.shape_cast %get3A_223 : vector<1x16xf32> to vector<16xf32>
      %sub3A_225 = arith.subf %get3A_220, %get3A_224 : vector<16xf32>
      %mul3A_226 = arith.mulf %sub3A_225, %sub3A_225 : vector<16xf32>
      %add3A_227 = arith.addf %scan3A_89, %mul3A_226 : vector<16xf32>
      %add3A_228 = arith.constant 7 : i32
      %add3A_229 = arith.addi %mul3A_122, %add3A_228 : i32
      %mul3A_230 = arith.constant 16 : i32
      %mul3A_231 = arith.muli %add3A_229, %mul3A_230 : i32
      %get3A_232 = arith.index_cast %select_n3A : i32 to index
      %get3A_233 = arith.index_cast %mul3A_231 : i32 to index
      %get3A_234 = tpu.vector_load %arg9[%get3A_232, %get3A_233] {strides = array<i32>} : memref<16x512xf32, #tpu.memory_space<vmem>>, vector<1x16xf32>,
      %get3A_235 = vector.shape_cast %get3A_234 : vector<1x16xf32> to vector<16xf32>
      %get3A_236 = arith.index_cast %select_n3A : i32 to index
      %get3A_237 = arith.index_cast %mul3A_231 : i32 to index
      %get3A_238 = tpu.vector_load %arg10[%get3A_236, %get3A_237] {strides = array<i32>} : memref<16x512xf32, #tpu.memory_space<vmem>>, vector<1x16xf32>,
      %get3A_239 = vector.shape_cast %get3A_238 : vector<1x16xf32> to vector<16xf32>
      %sub3A_240 = arith.subf %get3A_235, %get3A_239 : vector<16xf32>
      %mul3A_241 = arith.mulf %sub3A_240, %sub3A_240 : vector<16xf32>
      %add3A_242 = arith.addf %scan3A_90, %mul3A_241 : vector<16xf32>
      scf.yield %add3A_137, %add3A_152, %add3A_167, %add3A_182, %add3A_197, %add3A_212, %add3A_227, %add3A_242 : vector<16xf32>, vector<16xf32>, vector<16xf32>, vector<16xf32>, vector<16xf32>, vector<16xf32>, vector<16xf32>, vector<16xf32>
    }
    %scan3A_68 = arith.constant 64 : i32
    %add3A_69 = arith.addf %scan3A_67#0, %scan3A_67#1 : vector<16xf32>
    %add3A_70 = arith.addf %add3A_69, %scan3A_67#2 : vector<16xf32>
    %add3A_71 = arith.addf %add3A_70, %scan3A_67#3 : vector<16xf32>
    %add3A_72 = arith.addf %add3A_71, %scan3A_67#4 : vector<16xf32>
    %add3A_73 = arith.addf %add3A_72, %scan3A_67#5 : vector<16xf32>
    %add3A_74 = arith.addf %add3A_73, %scan3A_67#6 : vector<16xf32>
    %add3A_75 = arith.addf %add3A_74, %scan3A_67#7 : vector<16xf32>
    %swap3A_76 = arith.constant 0 : index
    %swap3A_77 = tpu.vector_load %arg11[%swap3A_76] {strides = array<i32>} : memref<16xf32, #tpu.memory_space<vmem>>, vector<16xf32>,
    %swap3A_78 = vector.shape_cast %swap3A_77 : vector<16xf32> to vector<16xf32>
    %swap3A_79 = vector.shape_cast %add3A_75 : vector<16xf32> to vector<16xf32>
    tpu.vector_store %arg11[%swap3A_76], %swap3A_79 {strides = array<i32>} : memref<16xf32, #tpu.memory_space<vmem>>, vector<16xf32>,
    %mul3A_80 = arith.constant 16 : i32
    %mul3A_81 = arith.muli %add3A, %mul3A_80 : i32
    %run_scoped3A = arith.constant 0 : i32
    "tpu.region"() ({
      %run_scoped3A_82 = tpu.sem_alloc : memref<!tpu.dma_semaphore, #tpu.memory_space<semaphore_mem>>
      %dma_start3A_83 = tpu.memref_slice %arg5[%run_scoped3A, %mul3A_81] : memref<1x512xf32, #tpu.memory_space<hbm>> -> memref<1x16xf32, #tpu.memory_space<hbm>>
      %dma_start3A_84 = tpu.memref_squeeze %dma_start3A_83 : memref<1x16xf32, #tpu.memory_space<hbm>> -> memref<16xf32, #tpu.memory_space<hbm>>
      %dma_start3A_85 = tpu.memref_slice %arg5[%run_scoped3A, %mul3A_81] : memref<1x512xf32, #tpu.memory_space<hbm>> -> memref<1x16xf32, #tpu.memory_space<hbm>>
      %dma_start3A_86 = tpu.memref_squeeze %dma_start3A_85 : memref<1x16xf32, #tpu.memory_space<hbm>> -> memref<16xf32, #tpu.memory_space<hbm>>
      tpu.enqueue_dma source(%arg11 : memref<16xf32, #tpu.memory_space<vmem>>) target(%dma_start3A_86 : memref<16xf32, #tpu.memory_space<hbm>>) target_semaphore(%run_scoped3A_82 : memref<!tpu.dma_semaphore, #tpu.memory_space<semaphore_mem>>)
      %dma_wait3A_87 = tpu.memref_slice %arg5[%run_scoped3A, %mul3A_81] : memref<1x512xf32, #tpu.memory_space<hbm>> -> memref<1x16xf32, #tpu.memory_space<hbm>>
      %dma_wait3A_88 = tpu.memref_squeeze %dma_wait3A_87 : memref<1x16xf32, #tpu.memory_space<hbm>> -> memref<16xf32, #tpu.memory_space<hbm>>
      %dma_wait3A_89 = tpu.memref_slice %arg5[%run_scoped3A, %mul3A_81] : memref<1x512xf32, #tpu.memory_space<hbm>> -> memref<1x16xf32, #tpu.memory_space<hbm>>
      %dma_wait3A_90 = tpu.memref_squeeze %dma_wait3A_89 : memref<1x16xf32, #tpu.memory_space<hbm>> -> memref<16xf32, #tpu.memory_space<hbm>>
      tpu.wait_dma2 semaphore(%run_scoped3A_82 : memref<!tpu.dma_semaphore, #tpu.memory_space<semaphore_mem>>) src(%arg11 : memref<16xf32, #tpu.memory_space<vmem>>) dst(%dma_wait3A_90 : memref<16xf32, #tpu.memory_space<hbm>>)
      tpu.yield
    }) : () -> ()
    return
  }
}

module attributes {stable_mosaic.version = 14 : i64} {
  func.func @_tc_body(%arg0: i32, %arg1: memref<896x512xf32, #tpu.memory_space<vmem>>, %arg2: memref<2x4096xi32, #tpu.memory_space<vmem>>, %arg3: memref<256x512xf32, #tpu.memory_space<vmem>>, %arg4: memref<1x512xf32, #tpu.memory_space<vmem>>) attributes {dimension_semantics = [#tpu.dimension_semantics<arbitrary>], iteration_bounds = array<i64: 4>, scalar_prefetch = 0 : i64, scratch_operands = 0 : i64, tpu.core_type = #tpu.core_type<tc>, window_params = [{transform_indices = @transform_0, window_bounds = array<i64: 896, 512>}, {pipeline_mode = #tpu.pipeline_mode<synchronous>, transform_indices = @transform_1, window_bounds = array<i64: 2, 4096>}, {pipeline_mode = #tpu.pipeline_mode<synchronous>, transform_indices = @transform_2, window_bounds = array<i64: 256, 512>}, {pipeline_mode = #tpu.pipeline_mode<synchronous>, transform_indices = @transform_3, window_bounds = array<i64: 1, 512>}]} {
    %mul3A = arith.constant 896 : i32
    %mul3A_0 = arith.muli %arg0, %mul3A : i32
    %add3A = arith.constant 0 : i32
    %add3A_1 = arith.addi %add3A, %mul3A_0 : i32
    %get3A = arith.constant 0 : index
    %get3A_2 = arith.index_cast %add3A_1 : i32 to index
    %get3A_3 = vector.load %arg2[%get3A, %get3A_2] : memref<2x4096xi32, #tpu.memory_space<vmem>>, vector<1x896xi32>
    %get3A_4 = vector.shape_cast %get3A_3 : vector<1x896xi32> to vector<896xi32>
    %mul3A_5 = arith.constant 896 : i32
    %mul3A_6 = arith.muli %arg0, %mul3A_5 : i32
    %add3A_7 = arith.constant 0 : i32
    %add3A_8 = arith.addi %add3A_7, %mul3A_6 : i32
    %get3A_9 = arith.constant 1 : index
    %get3A_10 = arith.index_cast %add3A_8 : i32 to index
    %get3A_11 = vector.load %arg2[%get3A_9, %get3A_10] : memref<2x4096xi32, #tpu.memory_space<vmem>>, vector<1x896xi32>
    %get3A_12 = vector.shape_cast %get3A_11 : vector<1x896xi32> to vector<896xi32>
    %mul3A_13 = arith.constant 16 : i32
    %mul3A_14 = vector.broadcast %mul3A_13 : i32 to vector<896xi32>
    %mul3A_15 = arith.muli %get3A_4, %mul3A_14 : vector<896xi32>
    %add3A_16 = arith.addi %mul3A_15, %get3A_12 : vector<896xi32>
    %iota3A = tpu.iota {dimensions = array<i32: 1>} : vector<896x256xi32>
    %broadcast_in_dim3A = vector.shape_cast %add3A_16 : vector<896xi32> to vector<896x1xi32>
    %eq3A = vector.broadcast %broadcast_in_dim3A : vector<896x1xi32> to vector<896x256xi32>
    %eq3A_17 = arith.cmpi eq, %iota3A, %eq3A : vector<896x256xi32>
    %jit3A = arith.constant 1.000000e+00 : f32
    %jit3A_18 = arith.constant 0.000000e+00 : f32
    %broadcast_in_dim3A_19 = vector.broadcast %jit3A : f32 to vector<896x256xf32>
    %broadcast_in_dim3A_20 = vector.broadcast %jit3A_18 : f32 to vector<896x256xf32>
    %select_n3A = arith.select %eq3A_17, %broadcast_in_dim3A_19, %broadcast_in_dim3A_20 : vector<896x256xi1>, vector<896x256xf32>
    %convert_element_type3A = arith.truncf %select_n3A : vector<896x256xf32> to vector<896x256xbf16>
    %get3A_21 = arith.constant 0 : index
    %get3A_22 = arith.constant 0 : index
    %get3A_23 = vector.load %arg3[%get3A_21, %get3A_22] : memref<256x512xf32, #tpu.memory_space<vmem>>, vector<256x512xf32>
    %convert_element_type3A_24 = arith.truncf %get3A_23 : vector<256x512xf32> to vector<256x512xbf16>
    %dot_general3A = arith.constant dense<0.000000e+00> : vector<896x512xf32>
    %dot_general3A_25 = tpu.matmul %convert_element_type3A, %convert_element_type3A_24, %dot_general3A {dimension_numbers = #tpu.dot_dimension_numbers<[1], [0], [0], [1], [0, 0, 1, 1], [], []>, transpose_lhs_hint = false} : vector<896x256xbf16>, vector<256x512xbf16>, vector<896x512xf32> -> vector<896x512xf32>
    %get3A_26 = arith.constant 0 : index
    %get3A_27 = arith.constant 0 : index
    %get3A_28 = vector.load %arg1[%get3A_26, %get3A_27] : memref<896x512xf32, #tpu.memory_space<vmem>>, vector<896x512xf32>
    %sub3A = arith.subf %get3A_28, %dot_general3A_25 : vector<896x512xf32>
    %mul3A_29 = arith.mulf %sub3A, %sub3A : vector<896x512xf32>
    %reduce_sum3A = arith.constant dense<0.000000e+00> : vector<512xf32>
    %reduce_sum3A_30 = vector.multi_reduction <add>, %mul3A_29, %reduce_sum3A [0] : vector<896x512xf32> to vector<512xf32>
    %broadcast_in_dim3A_31 = vector.shape_cast %reduce_sum3A_30 : vector<512xf32> to vector<1x512xf32>
    %eq3A_32 = arith.constant 0 : i32
    %eq3A_33 = arith.cmpi eq, %arg0, %eq3A_32 : i32
    %convert_element_type3A_34 = arith.extui %eq3A_33 : i1 to i32
    %cond3A = arith.constant 0 : i32
    %cond3A_35 = arith.cmpi ne, %convert_element_type3A_34, %cond3A : i32
    scf.if %cond3A_35 {
      %broadcast_in_dim3A_42 = arith.constant 0.000000e+00 : f32
      %broadcast_in_dim3A_43 = vector.broadcast %broadcast_in_dim3A_42 : f32 to vector<1x512xf32>
      %swap3A_44 = arith.constant 0 : index
      %swap3A_45 = arith.constant 0 : index
      %swap3A_46 = vector.load %arg4[%swap3A_44, %swap3A_45] : memref<1x512xf32, #tpu.memory_space<vmem>>, vector<1x512xf32>
      tpu.vector_store %arg4[%swap3A_44, %swap3A_45], %broadcast_in_dim3A_43 {strides = array<i32>} : memref<1x512xf32, #tpu.memory_space<vmem>>, vector<1x512xf32>,
    } else {
    }
    %get3A_36 = arith.constant 0 : index
    %get3A_37 = arith.constant 0 : index
    %get3A_38 = vector.load %arg4[%get3A_36, %get3A_37] : memref<1x512xf32, #tpu.memory_space<vmem>>, vector<1x512xf32>
    %add3A_39 = arith.addf %get3A_38, %broadcast_in_dim3A_31 : vector<1x512xf32>
    %swap3A = arith.constant 0 : index
    %swap3A_40 = arith.constant 0 : index
    %swap3A_41 = vector.load %arg4[%swap3A, %swap3A_40] : memref<1x512xf32, #tpu.memory_space<vmem>>, vector<1x512xf32>
    tpu.vector_store %arg4[%swap3A, %swap3A_40], %add3A_39 {strides = array<i32>} : memref<1x512xf32, #tpu.memory_space<vmem>>, vector<1x512xf32>,
    return
  }
  func.func @transform_0(%arg0: i32) -> (i32, i32) {
    %add3A = arith.constant 0 : i32
    %add3A_0 = arith.addi %add3A, %arg0 : i32
    %c0_i32 = arith.constant 0 : i32
    %c0_i32_1 = arith.constant 0 : i32
    return %add3A_0, %c0_i32 : i32, i32
  }
  func.func @transform_1(%arg0: i32) -> (i32, i32) {
    %c0_i32 = arith.constant 0 : i32
    %c0_i32_0 = arith.constant 0 : i32
    %c0_i32_1 = arith.constant 0 : i32
    return %c0_i32, %c0_i32_0 : i32, i32
  }
  func.func @transform_2(%arg0: i32) -> (i32, i32) {
    %c0_i32 = arith.constant 0 : i32
    %c0_i32_0 = arith.constant 0 : i32
    %c0_i32_1 = arith.constant 0 : i32
    return %c0_i32, %c0_i32_0 : i32, i32
  }
  func.func @transform_3(%arg0: i32) -> (i32, i32) {
    %c0_i32 = arith.constant 0 : i32
    %c0_i32_0 = arith.constant 0 : i32
    %c0_i32_1 = arith.constant 0 : i32
    return %c0_i32, %c0_i32_0 : i32, i32
  }
}

</mosaic_0001>

<sc_bundles>
// kernel: kernel.4.cloned.1.call-start
scs
__scs_entry_jumppad:
0x0: {  	(pc) =	sbr.rel $0x88, $3  }
0x1: {  	(tag) =	ssettag $0x0;
	lr =	simm.s32 $0x1  }
0x2: {  	[smem:$0x3F9E] =	sst lr;
	_ =	strace $0xD0000000  }
0x3: {  	_ = 	snop  }
0x4: {  	_ = 	snop  }
0x5: {  	_ = 	snop  }
0x6: {  	_ = 	snop  }
0x7: {  	_ = 	snop  }
__scs_overlays_trampoline_lowered:
0x8: {  	[smem:$0x3FAD] =	sst s0  }
0x9: {  	[smem:$0x3FAE] =	sst s1  }
0xa: {  	[smem:$0x3FAF] =	sst s2  }
0xb: {  	[smem:$0x3FB0] =	sst s3  }
0xc: {  	[smem:$0x3FB1] =	sst s4  }
0xd: {  	[smem:$0x3FB2] =	sst s5  }
0xe: {  	[smem:$0x3FB3] =	sst s6  }
0xf: {  	[smem:$0x3FB4] =	sst s7  }
0x10: {  	[smem:$0x3FB5] =	sst s8  }
0x11: {  	[smem:$0x3FB6] =	sst s9;
	s0 =	simm.s32 @!p0 $0x0  }
0x12: {  	s1 =	sld [smem:$0x3F9C];
	s0 =	simm.s32 @p0 $0x1  }
0x13: {  	[smem:$0x3FB7] =	sst s0;
	s0 =	simm.s32 @!p1 $0x0  }
0x14: {  	s2 =	sld [smem:$0x3F9B];
	s0 =	simm.s32 @p1 $0x1  }
0x15: {  	[smem:$0x3FB8] =	sst s0;
	s0 =	simm.s32 @!p2 $0x0  }
0x16: {  	s3 =	sld [smem:$0x3FDB];
	s0 =	simm.s32 @p2 $0x1  }
0x17: {  	s4 =	simm.s32 $0x1BF5;
	[smem:$0x3FBA] =	sst s0  }
0x18: {  	s0 =	sld [smem:$0x3F9D];
	_ =	swait.ge [sflag:s4], $0x0  }
0x19: {  	s7 =	sld [smem:$0x3F9E]  }
0x1a: {  	s8 =	sadd.s32 $0xFFFFE003, lr  }
0x1b: {  	s9 =	sadd.s32 $0xFFFFFEF7, lr;
	s5 =	simm.s32 $0xFFFFFFFF;
	p2 =	slt.u32 s8, $0xFFFFF086  }
0x1c: {  	p1 =	slt.u32 s9, $0xF7A;
	s5 =	simm.s32 @!p2 $0x0  }
0x1d: {  	s5 =	simm.s32 @p1 $0x1;
	p0 =	seq.s32 s7, s2  }
0x1e: {  	s7 =	smul.u32 @!p0 $0xF7A, s2;
	p2 =	seq.s32 @!p0 s5, $0x0  }
0x1f: {  	s9 =	smul.u32 $0xF7A, s1;
	s8 =	simm.s32 @!p0 $0x1BF5;
	p2 =	por !p2, p0  }
0x20: {  	[sflag:s8] =	ssyncset.s32 @!p0 $0xFFFFF086;
	s6 =	sadd.s32 @!p0 s3, s7;
	s7 =	simm.s32 @!p0 $0x108  }
0x21: {  	s3 =	sadd.s32 s3, s9;
	s6 =	sadd.s32 @!p0 $0x88, s6;
	s7 =	simm.s32 @p2 $0x1082  }
0x22: {  	[simem:s7], [sflag:s8] =	dma.local @!p0 [hbm:s6], $0xF7A  }
0x23: {  	s9 =	sor.u32 $0xD0000000, s2;
	s6 =	simm.s32 $0x108;
	_ =	swait.ge @!p0 [sflag:s8], $0x0  }
0x24: {  	s3 =	sadd.s32 $0x88, s3;
	s6 =	simm.s32 @!p1 $0x1082;
	[sflag:s4] =	ssyncset.s32 $0xFFFFF086  }
0x25: {  	[simem:s6], [sflag:s4] =	dma.local [hbm:s3], $0xF7A  }
0x26: {  	[smem:$0x3F9E] =	sst s1;
	(tag) =	ssettag s2;
	_ =	strace s9  }
0x27: {  	s1 =	sld [smem:$0x3FAE]  }
0x28: {  	s2 =	sld [smem:$0x3FAF]  }
0x29: {  	s4 =	sld [smem:$0x3FB1]  }
0x2a: {  	p0 =	seq.s32 s5, $0x0;
	s5 =	sld [smem:$0x3FB2]  }
0x2b: {  	s6 =	sld [smem:$0x3FB3]  }
0x2c: {  	s7 =	sld [smem:$0x3FB4]  }
0x2d: {  	s3 =	simm.s32 $0x108;
	s8 =	sld [smem:$0x3FB5]  }
0x2e: {  	s3 =	simm.s32 @!p0 $0x1082;
	s9 =	sld [smem:$0x3FB6]  }
0x2f: {  	lr =	sadd.s32 s0, s3;
	s0 =	sld [smem:$0x3FAD]  }
0x30: {  	s3 =	sld [smem:$0x3FB0]  }
0x31: {  	[smem:$0x3FB9] =	sst s10  }
0x32: {  	s10 =	sld [smem:$0x3FB7];
	_ =	sdelay $0x3  }
0x33: {  	p0 =	seq.s32 s10, $0x1;
	s10 =	sld [smem:$0x3FB9];
	_ =	sdelay $0x3  }
0x34: {  	[smem:$0x3FB9] =	sst s10  }
0x35: {  	s10 =	sld [smem:$0x3FB8];
	_ =	sdelay $0x3  }
0x36: {  	p1 =	seq.s32 s10, $0x1;
	s10 =	sld [smem:$0x3FB9];
	_ =	sdelay $0x3  }
0x37: {  	[smem:$0x3FB9] =	sst s10  }
0x38: {  	s10 =	sld [smem:$0x3FBA]  }
0x39: {  	_ = 	snop;
	(pc) =	sbr.ind lr, $3  }
0x3a: {  	_ = 	snop  }
0x3b: {  	_ = 	snop  }
0x3c: {  	p2 =	seq.s32 s10, $0x1;
	s10 =	sld [smem:$0x3FB9]  }
0x3d: {  	_ =	shalt  }
0x3e: {  	_ =	shalt  }
0x3f: {  	_ =	shalt  }
0x40: {  	_ =	shalt  }
0x41: {  	_ =	shalt  }
0x42: {  	_ =	shalt  }
0x43: {  	_ =	shalt  }
0x44: {  	_ =	shalt  }
0x45: {  	_ =	shalt  }
0x46: {  	_ =	shalt  }
0x47: {  	_ =	shalt  }
0x48: {  	_ =	shalt  }
0x49: {  	_ =	shalt  }
0x4a: {  	_ =	shalt  }
0x4b: {  	_ =	shalt  }
0x4c: {  	_ =	shalt  }
0x4d: {  	_ =	shalt  }
0x4e: {  	_ =	shalt  }
0x4f: {  	_ =	shalt  }
0x50: {  	_ =	shalt  }
0x51: {  	_ =	shalt  }
0x52: {  	_ =	shalt  }
0x53: {  	_ =	shalt  }
0x54: {  	_ =	shalt  }
0x55: {  	_ =	shalt  }
0x56: {  	_ =	shalt  }
0x57: {  	_ =	shalt  }
0x58: {  	_ =	shalt  }
0x59: {  	_ =	shalt  }
0x5a: {  	_ =	shalt  }
0x5b: {  	_ =	shalt  }
0x5c: {  	_ =	shalt  }
0x5d: {  	_ =	shalt  }
0x5e: {  	_ =	shalt  }
0x5f: {  	_ =	shalt  }
0x60: {  	_ =	shalt  }
0x61: {  	_ =	shalt  }
0x62: {  	_ =	shalt  }
0x63: {  	_ =	shalt  }
0x64: {  	_ =	shalt  }
0x65: {  	_ =	shalt  }
0x66: {  	_ =	shalt  }
0x67: {  	_ =	shalt  }
0x68: {  	_ =	shalt  }
0x69: {  	_ =	shalt  }
0x6a: {  	_ =	shalt  }
0x6b: {  	_ =	shalt  }
0x6c: {  	_ =	shalt  }
0x6d: {  	_ =	shalt  }
0x6e: {  	_ =	shalt  }
0x6f: {  	_ =	shalt  }
0x70: {  	_ =	shalt  }
0x71: {  	_ =	shalt  }
0x72: {  	_ =	shalt  }
0x73: {  	_ =	shalt  }
0x74: {  	_ =	shalt  }
0x75: {  	_ =	shalt  }
0x76: {  	_ =	shalt  }
0x77: {  	_ =	shalt  }
0x78: {  	_ =	shalt  }
0x79: {  	_ =	shalt  }
0x7a: {  	_ =	shalt  }
0x7b: {  	_ =	shalt  }
0x7c: {  	_ =	shalt  }
0x7d: {  	_ =	shalt  }
0x7e: {  	_ =	shalt  }
0x7f: {  	_ =	shalt  }
0x80: {  	_ =	shalt  }
0x81: {  	_ =	shalt  }
0x82: {  	_ =	shalt  }
0x83: {  	_ =	shalt  }
0x84: {  	_ =	shalt  }
0x85: {  	_ =	shalt  }
0x86: {  	_ =	shalt  }
0x87: {  	_ =	shalt  }
.Lfunc_end0:
.L_simem_size_0:
called_computation_lowered:
.L_overlay_start_0:
0x88: {  	s2 =	sld [smem:$0x3FD9]  }
0x89: {  	s3 =	sld [smem:$0x3FFE];
	_ =	sdelay $0x1  }
0x8a: {  	s1 =	srdreg.scid  }
0x8b: {  	s0 =	sand.u32 $0x1, s1  }
0x8c: {  	s17 =	sshll.u32 s0, $0xA;
	s2 =	sadd.s32 s3, s2  }
0x8d: {  	s2 =	sadd.s32 s2, s17  }
0x8e: {  	[smem:$0x3FC5] =	sst s2  }
0x8f: {  	_ = 	snop  }
0x90: {  	s2 =	sld [smem:$0x3FC9]  }
0x91: {  	s18 =	sld [smem:$0x3FC8]  }
0x92: {  	s4 =	sld [smem:$0x3FC7];
	(tm) =	ssettm $0x1  }
0x93: {  	s5 =	sld [smem:$0x3FFB];
	_ =	sdelay $0x3  }
0x94: {  	_ =	strace s5  }
0x95: {  	s5 =	sld [smem:$0x3FFC];
	_ =	sdelay $0x3  }
0x96: {  	_ =	strace s5  }
0x97: {  	s5 =	sld [smem:$0x3FFD];
	_ =	sdelay $0x3  }
0x98: {  	_ =	strace s5  }
0x99: {  	_ =	strace $0x8FFFFFFF  }
0x9a: {  	s19 =	sld [smem:$0x3FDB];
	_ =	sdelay $0x1  }
0x9b: {  	s6 =	simm.s32 $_scs_section_size  }
0x9c: {  	s7 =	simm.s32 $_size__tile_overlayer_lowered;
	s8 =	simm.s32 $_tile_overlayer_lowered  }
0x9d: {  	s22 =	simm.s32 $0x1BFF;
	s21 =	sshll.u32 s8, $0x1;
	s5 =	sadd.s32 s6, s19  }
0x9e: {  	s9 =	simm.s32 $0x0;
	s20 =	sshll.u32 s7, $0x1;
	s7 =	sadd.s32 s21, s5  }
0x9f: {  	[timem:s9], [sflag:s22] =	dma.local [hbm:s7], s20  }
0xa0: {  	_ =	swait.ge [sflag:s22], s20  }
0xa1: {  	s6 =	ssub.s32 $0x0, s20;
	[sflag:s22] =	ssyncset.done $0x0  }
0xa2: {  	[sflag:s22] =	ssyncadd.s32 s6;
	_ =	sdelay $0x1  }
0xa3: {  	s23 =	simm.s32 $0x1B8B  }
0xa4: {  	_ =	swait.ge [sflag:s23], $0x1  }
0xa5: {  	[sflag:s23] =	ssyncset.done $0x0  }
0xa6: {  	s25 =	simm.s32 $0x1B8E;
	s24 =	sld [smem:$0x3FFE];
	[sflag:s23] =	ssyncadd.s32 $0xFFFFFFFF  }
0xa7: {  	s26 =	simm.s32 $execute0_lowered;
	[smem:$0x3FD2] =	sst s25  }
0xa8: {  	s7 =	sshll.u32 s26, $0x1;
	_ =	strace $0x80000046;
	[dreg:$0x1] =	wrdreg $0xFFFFFFFF  }
0xa9: {  	s28 =	simm.s32 $_size_execute0_lowered;
	s5 =	sadd.s32 s5, s7;
	[dreg:$0x0] =	wrdreg $0x0  }
0xaa: {  	s7 =	sshll.u32 s28, $0x1;
	[dreg:$0x2] =	wrdreg s5  }
0xab: {  	[dreg:$0x3] =	wrdreg s7  }
0xac: {  	[dreg:$0x4] =	wrdreg $0xC0  }
0xad: {  	_ =	task [dreg:s9], $0x5FFFF  }
0xae: {  	[dreg:$0x1] =	wrdreg $0xFFFFFFFF  }
0xaf: {  	[dreg:$0x0] =	wrdreg $0x60  }
0xb0: {  	[dreg:$0x2] =	wrdreg s2  }
0xb1: {  	[dreg:$0x3] =	wrdreg s18  }
0xb2: {  	[dreg:$0x4] =	wrdreg s4  }
0xb3: {  	[dreg:$0x5] =	wrdreg s24  }
0xb4: {  	[dreg:$0x6] =	wrdreg $0x9  }
0xb5: {  	_ =	task.clear_ibuf [dreg:s9], $0x7FFFF;
	_ =	strace $0x90000046  }
0xb6: {  	s29 =	simm.s32 $0x9;
	_ =	strace $0x80000048  }
0xb7: {  	_ =	swait.ge [sflag:s29], $0x1  }
0xb8: {  	[sflag:s29] =	ssyncadd.s32 $0xFFFFFFFF  }
0xb9: {  	_ =	strace $0x90000048  }
0xba: {  	_ =	sfence  }
0xbb: {  	s30 =	sld [smem:$0x0];
	_ =	sdelay $0x2  }
0xbc: {  	s31 =	sshll.u32 s1, $0xD;
	s1 =	sshrl.u32 s1, $0x2  }
0xbd: {  	s3 =	sand.u32 $0x4000, s31;
	s1 =	sadd.s32 s1, s30  }
0xbe: {  	s0 =	sor.u32 s3, s0;
	s1 =	sshll.u32 s1, $0x11  }
0xbf: {  	s0 =	sor.u32 s1, s0  }
0xc0: {  	s0 =	sadd.s32 $0x8F2B, s0  }
0xc1: {  	[sflag:s0] =	ssyncadd.remote.s32 $0x1  }
0xc2: {  	_ =	sfence.sel $0xFFFF  }
0xc3: {  	[dreg:$0x0] =	wrdreg $0xFFFFFFFF;
	(pc) =	sbr.abs _section_cstart, $3  }
0xc4: {  	[dreg:$0x1] =	wrdreg $0xFFFFFFFF  }
0xc5: {  	_ =	task.clear_ibuf [dreg:s9], $0x2FFFF;
	_ =	strace $0x9FFFFFFF  }
0xc6: {  	(tm) =	ssettm $0x7FFFFFFF  }
0xc7: {  	_ =	shalt  }
tec
execute0_lowered:
.L_overlay_start_1:
0x0: {  	(tag) =	ssettag $0x1  }
0x1: {  	s6 =	rddreg [dreg:$0x0]  }
0x2: {  	s1 =	srdreg.scid;
	s5 =	rddreg [dreg:$0x1]  }
0x3: {  	s0 =	stileid.u32;
	s2 =	rddreg [dreg:$0x2]  }
0x4: {  	s8 =	rddreg [dreg:$0x3];
	s12 =	simm.s32 $0x1;
	s13 =	simm.s32 $0x2  }
0x5: {  	s14 =	simm.s32 $0x2180;
	s15 =	simm.s32 $0x2980;
	s16 =	simm.s32 $0x3180  }
0x6: {  	s17 =	simm.s32 $0x3980;
	s18 =	simm.s32 $0x3;
	s19 =	simm.s32 $0x4180  }
0x7: {  	s20 =	simm.s32 $0x4;
	s21 =	simm.s32 $0x0;
	s4 =	sand.u32 $0x1, s1  }
0x8: {  	s28 =	sshll.u32 s0, $0x5;
	s1 =	rddreg [dreg:$0x4];
	s3 =	sshll.u32 s4, $0x4  }
0x9: {  	s29 =	ssub.s32 $0x2, s4;
	s7 =	sor.u32 s3, s28;
	s3 =	simm.s32 $0x0  }
0xa: {  	s31 =	sshrl.u32 s29, $0x1;
	s9 =	sor.u32 $0xE00, s7;
	[smem:$0x7FF] =	sst s3  }
0xb: {  	s11 =	sand.u32 $0x70, s7;
	s7 =	sshrl.u32 s7, $0x3;
	s10 =	sshll.u32 s9, $0x1  }
0xc: {  	_ =	strace $0x80000047;
	s8 =	sadd.s32 s7, s8;
	s10 =	sand.u32 $0x1F00, s10  }
0xd: {  	s9 =	sshll.u32 s9, $0x6;
	s7 =	sadd.s32 $0x100, s2;
	s10 =	sor.u32 s11, s10  }
0xe: {  	v2 =	vlaneseq.u32;
	s6 =	sadd.s32 s6, s9;
	s8 =	sadd.s32 $0x600, s8;
	s30 =	sshrl.u32 s10, $0x3  }
0xf: {  	vm0 =	vmmov $0xffff;
	v1 =	vshrl.u32 v2, $0x3;
	s11 =	simm.s32 $0x180;
	s10 =	ssub.s32 s29, s31;
	s4 =	sadd.s32 s5, s30  }
0x10: {  	v0 =	vand.u32 $0x7, v2;
	v2 =	vor.u32 $0x8, v2;
	v1 =	vmul.u32 $0x8, v1;
	s9 =	smax.u32 s10, $0x1;
	s10 =	simm.s32 $0x80;
	s5 =	sadd.s32 $0x10, s4  }
.LBB2_1:
0x11: {  	[tilespmem:s3], [sflag:$0x1] =	stream.linear.gather [hbm4b:s4+s3], $0x10, $0x38;
	[tilespmem:$0x4200] =	vst v63  }
0x12: {  	_ = 	snop  }
0x13: {  	[tilespmem:s10], [sflag:$0x2] =	stream.linear.gather [hbm4b:s5+s3], $0x10, $0x38;
	[tilespmem:$0x4200] =	vst v63  }
0x14: {  	_ = 	snop  }
0x15: {  	[tilespmem:s11], [sflag:$0x3] =	stream.linear.gather [hbm4b:s6+s3], $0x2000, $0x38;
	[tilespmem:$0x4200] =	vst v63  }
0x16: {  	_ =	swait.ge [sflag:s12], $0x10  }
0x17: {  	[sflag:s12] =	ssyncset.done $0x0  }
0x18: {  	[sflag:s12] =	ssyncadd.s32 $0xFFFFFFF0  }
0x19: {  	_ =	swait.ge [sflag:s13], $0x10  }
0x1a: {  	[sflag:s13] =	ssyncset.done $0x0  }
0x1b: {  	[sflag:s13] =	ssyncadd.s32 $0xFFFFFFF0  }
0x1c: {  	v3 =	vld [tilespmem:$0x0]  }
0x1d: {  	v4 =	vld [tilespmem:$0x80];
	_ =	sdelay $0x3  }
0x1e: {  	v3 =	vshll.u32 v3, $0x4  }
0x1f: {  	v3 =	vadd.s32 v4, v3  }
0x20: {  	v5 =	vshll.u32 v3, $0x2  }
0x21: {  	v4 =	vand.u32 $0x7, v4;
	v5 =	vand.u32 $0xFFFFFFE0, v5  }
0x22: {  	v4 =	vor.u32 v4, v5  }
0x23: {  	v5 =	vperm.xlane v4, v0;
	_ =	sdelay $0x1  }
0x24: {  	v5 =	vadd.s32 v1, v5;
	_ =	sdelay $0x1  }
0x25: {  	v4 =	vperm.xlane v4, v2;
	_ =	sdelay $0x1  }
0x26: {  	[tilespmem:$0x100] =	vst v3;
	v3 =	vadd.s32 v1, v4  }
0x27: {  	[tilespmem:s14], [sflag:$0x2] =	stream.indirect_vreg.gather [hbm4b:s2+s3], $0x80, v5, vm0, $0xb8;
	[tilespmem:$0x4200] =	vst v63  }
0x28: {  	_ = 	snop  }
0x29: {  	[tilespmem:s15], [sflag:$0x2] =	stream.indirect_vreg.gather [hbm4b:s7+s3], $0x80, v5, vm0, $0xb8;
	[tilespmem:$0x4200] =	vst v63  }
0x2a: {  	_ = 	snop  }
0x2b: {  	[tilespmem:s16], [sflag:$0x2] =	stream.indirect_vreg.gather [hbm4b:s2+s3], $0x80, v3, vm0, $0xb8;
	[tilespmem:$0x4200] =	vst v63  }
0x2c: {  	_ = 	snop  }
0x2d: {  	[tilespmem:s17], [sflag:$0x2] =	stream.indirect_vreg.gather [hbm4b:s7+s3], $0x80, v3, vm0, $0xb8;
	[tilespmem:$0x4200] =	vst v63  }
0x2e: {  	_ =	swait.ge [sflag:s13], $0x2000  }
0x2f: {  	[sflag:s13] =	ssyncset.done $0x0  }
0x30: {  	s22 =	simm.s32 $0x0;
	s23 =	simm.s32 $0x0;
	[sflag:s13] =	ssyncadd.s32 $0xFFFFE000  }
0x31: {  	s24 =	sand.u32 $0xC00, s3;
	s22 =	sand.u32 $0x1000, s22;
	_ =	swait.ge [sflag:s18], $0x2000  }
0x32: {  	s23 =	sand.u32 $0x380, s23;
	s22 =	sor.u32 s24, s22;
	[sflag:s18] =	ssyncset.done $0x0  }
0x33: {  	s22 =	sor.u32 s23, s22;
	[sflag:s18] =	ssyncadd.s32 $0xFFFFE000  }
0x34: {  	v3 =	vld [tilespmem:s22+$0x1F0]  }
0x35: {  	v4 =	vld [tilespmem:s22+$0x21F0]  }
0x36: {  	v5 =	vld [tilespmem:s22+$0x180]  }
0x37: {  	v6 =	vld [tilespmem:s22+$0x2180]  }
0x38: {  	v7 =	vld [tilespmem:s22+$0x190]  }
0x39: {  	v8 =	vld [tilespmem:s22+$0x2190];
	_ =	sdelay $0x1  }
0x3a: {  	v9 =	vld [tilespmem:s22+$0x1A0]  }
0x3b: {  	v3 =	vsub.f32 v3, v4;
	v4 =	vld [tilespmem:s22+$0x21A0]  }
0x3c: {  	v12 =	vld [tilespmem:s22+$0x1B0];
	v5 =	vsub.f32 v5, v6  }
0x3d: {  	v15 =	vld [tilespmem:s22+$0x21B0];
	v8 =	vsub.f32 v7, v8;
	v3 =	vmul.f32 v3, v3  }
0x3e: {  	v11 =	vld [tilespmem:s22+$0x1C0];
	v7 =	vimm.f32 $0.0e+00;
	v5 =	vmul.f32 v5, v5  }
0x3f: {  	v10 =	vimm.f32 $0.0e+00;
	v13 =	vld [tilespmem:s22+$0x21C0];
	v17 =	vmul.f32 v8, v8;
	v3 =	vadd.f32 v3, v7  }
0x40: {  	s31 =	simm.s32 $0x80;
	s25 =	simm.s32 $0x20;
	s23 =	simm.s32 $0x400;
	v14 =	vld [tilespmem:s22+$0x1D0];
	v8 =	vimm.f32 $0.0e+00;
	v6 =	vadd.f32 v5, v7;
	v18 =	vsub.f32 v9, v4  }
0x41: {  	s26 =	sand.u32 $0x1000, s31;
	s24 =	simm.s32 $0x2;
	s28 =	sand.u32 $0xC00, s23;
	v16 =	vld [tilespmem:s22+$0x21D0];
	v5 =	vimm.f32 $0.0e+00;
	v9 =	vimm.f32 $0.0e+00;
	v4 =	vimm.f32 $0.0e+00  }
.LBB2_2:
0x42: {  	p0 =	sne.s32 s24, $0x3F;
	s26 =	sor.u32 s28, s26;
	s25 =	sand.u32 $0x380, s25;
	v7 =	vadd.f32 v17, v7;
	v17 =	vmul.f32 v18, v18;
	v12 =	vsub.f32 v12, v15;
	v15 =	vld [tilespmem:s22+$0x1E0]  }
0x43: {  	v18 =	vld [tilespmem:s22+$0x21E0];
	s22 =	sor.u32 s25, s26  }
0x44: {  	v19 =	vld [tilespmem:s22+$0x1F0];
	v10 =	vadd.f32 v17, v10;
	v12 =	vmul.f32 v12, v12;
	v11 =	vsub.f32 v11, v13  }
0x45: {  	v13 =	vld [tilespmem:s22+$0x21F0]  }
0x46: {  	v17 =	vld [tilespmem:s22+$0x180];
	v9 =	vadd.f32 v12, v9;
	v11 =	vmul.f32 v11, v11;
	v12 =	vsub.f32 v14, v16  }
0x47: {  	v14 =	vld [tilespmem:s22+$0x2180]  }
0x48: {  	v16 =	vld [tilespmem:s22+$0x190];
	v8 =	vadd.f32 v11, v8;
	v11 =	vmul.f32 v12, v12;
	v12 =	vsub.f32 v15, v18  }
0x49: {  	v18 =	vld [tilespmem:s22+$0x2190]  }
0x4a: {  	v20 =	vld [tilespmem:s22+$0x1A0];
	v13 =	vsub.f32 v19, v13;
	v5 =	vadd.f32 v11, v5;
	v11 =	vmul.f32 v12, v12  }
0x4b: {  	v19 =	vld [tilespmem:s22+$0x21A0]  }
0x4c: {  	v14 =	vsub.f32 v17, v14;
	v12 =	vld [tilespmem:s22+$0x1B0];
	v13 =	vmul.f32 v13, v13;
	v4 =	vadd.f32 v11, v4  }
.Ltmp0:
0x4d: {  	v15 =	vld [tilespmem:s22+$0x21B0];
	(pc) =	sbr.rel @p0 .LBB2_2-.Ltmp0, $4  }
0x4e: {  	v14 =	vmul.f32 v14, v14;
	v16 =	vsub.f32 v16, v18;
	v11 =	vld [tilespmem:s22+$0x1C0];
	v3 =	vadd.f32 v13, v3  }
0x4f: {  	v13 =	vld [tilespmem:s22+$0x21C0]  }
0x50: {  	s23 =	sadd.s32 $0x400, s23;
	s26 =	sshll.u32 s24, $0x7;
	s25 =	sshll.u32 s24, $0x5;
	v6 =	vadd.f32 v14, v6;
	v17 =	vmul.f32 v16, v16;
	v18 =	vsub.f32 v20, v19;
	v14 =	vld [tilespmem:s22+$0x1D0]  }
0x51: {  	s28 =	sand.u32 $0xC00, s23;
	s24 =	sadd.s32 $0x1, s24;
	s26 =	sand.u32 $0x1000, s26;
	v16 =	vld [tilespmem:s22+$0x21D0]  }
0x52: {  	s23 =	sor.u32 s28, s26;
	s24 =	sand.u32 $0x380, s25;
	v19 =	vld [tilespmem:s22+$0x1E0]  }
0x53: {  	v20 =	vld [tilespmem:s22+$0x21E0];
	s23 =	sor.u32 s24, s23  }
0x54: {  	v21 =	vld [tilespmem:s23+$0x180]  }
0x55: {  	v22 =	vld [tilespmem:s23+$0x2180]  }
0x56: {  	v23 =	vld [tilespmem:s23+$0x190]  }
0x57: {  	v24 =	vld [tilespmem:s23+$0x2190]  }
0x58: {  	v25 =	vld [tilespmem:s23+$0x1A0]  }
0x59: {  	v26 =	vld [tilespmem:s23+$0x21A0]  }
0x5a: {  	v18 =	vmul.f32 v18, v18;
	v12 =	vsub.f32 v12, v15;
	v39 =	vld [tilespmem:s23+$0x1B0]  }
0x5b: {  	v7 =	vadd.f32 v17, v7;
	v40 =	vld [tilespmem:s23+$0x21B0]  }
0x5c: {  	v10 =	vadd.f32 v18, v10;
	v12 =	vmul.f32 v12, v12;
	v11 =	vsub.f32 v11, v13;
	v41 =	vld [tilespmem:s23+$0x1C0]  }
0x5d: {  	v44 =	vld [tilespmem:s23+$0x21C0];
	v42 =	vsub.f32 v21, v22;
	v43 =	vsub.f32 v23, v24  }
0x5e: {  	v50 =	vld [tilespmem:s23+$0x1D0];
	v9 =	vadd.f32 v12, v9;
	v45 =	vsub.f32 v14, v16  }
0x5f: {  	v52 =	vld [tilespmem:s23+$0x21D0];
	v49 =	vsub.f32 v25, v26;
	v47 =	vmul.f32 v42, v42;
	v48 =	vmul.f32 v43, v43  }
0x60: {  	v54 =	vld [tilespmem:s23+$0x1E0];
	v11 =	vmul.f32 v11, v11;
	v55 =	vsub.f32 v19, v20;
	v51 =	vsub.f32 v39, v40  }
0x61: {  	v56 =	vld [tilespmem:s23+$0x21E0];
	v53 =	vmul.f32 v49, v49;
	v6 =	vadd.f32 v47, v6;
	v7 =	vadd.f32 v48, v7  }
0x62: {  	v8 =	vadd.f32 v11, v8;
	v13 =	vsub.f32 v41, v44  }
0x63: {  	v46 =	vld [tilespmem:s23+$0x1F0];
	v11 =	vmul.f32 v51, v51;
	v10 =	vadd.f32 v53, v10;
	v6 =	vadd.f32 v7, v6  }
0x64: {  	v57 =	vld [tilespmem:s23+$0x21F0];
	v12 =	vmul.f32 v45, v45;
	v59 =	vsub.f32 v50, v52;
	v60 =	vmul.f32 v55, v55  }
0x65: {  	v58 =	vmul.f32 v13, v13;
	v9 =	vadd.f32 v11, v9;
	v6 =	vadd.f32 v10, v6  }
0x66: {  	v62 =	vsub.f32 v54, v56;
	v5 =	vadd.f32 v12, v5;
	v61 =	vmul.f32 v59, v59  }
0x67: {  	v8 =	vadd.f32 v58, v8;
	v6 =	vadd.f32 v9, v6  }
0x68: {  	v4 =	vadd.f32 v60, v4;
	v5 =	vadd.f32 v61, v5  }
0x69: {  	v63 =	vmul.f32 v62, v62;
	v7 =	vsub.f32 v46, v57;
	v6 =	vadd.f32 v8, v6;
	_ =	sdelay $0x1  }
0x6a: {  	v4 =	vadd.f32 v63, v4;
	v7 =	vmul.f32 v7, v7;
	v5 =	vadd.f32 v5, v6;
	_ =	sdelay $0x1  }
0x6b: {  	v3 =	vadd.f32 v7, v3;
	v4 =	vadd.f32 v4, v5;
	_ =	sdelay $0x1  }
0x6c: {  	s21 =	sadd.s32 $0x1, s21;
	v3 =	vadd.f32 v3, v4  }
0x6d: {  	p0 =	sne.s32 s21, s9  }
.Ltmp1:
0x6e: {  	[tilespmem:$0x4180] =	vst v3;
	(pc) =	sbr.rel @p0 .LBB2_1-.Ltmp1, $4  }
0x6f: {  	[hbm4b:s8+s3] =	stream.linear.scatter [tilespmem:s19], [sflag:$0x4], $0x10, $0x38;
	[tilespmem:$0x4200] =	vst v63  }
0x70: {  	_ =	swait.ge [sflag:s20], $0x10  }
0x71: {  	[sflag:s20] =	ssyncset.done $0x0  }
0x72: {  	[sflag:s20] =	ssyncadd.s32 $0xFFFFFFF0  }
0x73: {  	_ =	sfence.sel $0x180000  }
0x74: {  	[bflag:$0x0] =	sbarrier.arrive $0xFFFF  }
0x75: {  	p0 =	sne.s32 s0, $0x0;
	_ =	strace $0x90000047  }
0x76: {  	s0 =	sadd.s32 @!p0 $0x100000, s1;
	[bflag:$0x2] =	sbarrier.arrive $0xFFFF  }
0x77: {  	[sflag:s0] =	ssyncadd.tile.s32 @!p0 $0x1;
	_ =	shalt  }
.Lfunc_end2:
_tile_overlayer_lowered:
.L_overlay_start_2:
0x78: {  	(tag) =	ssettag $0x2  }
0x79: {  	s0 =	rddreg [dreg:$0x0];
	s2 =	stileid.u32  }
0x7a: {  	s1 =	rddreg [dreg:$0x1];
	p0 =	sne.s32 s2, $0x0  }
0x7b: {  	s3 =	rddreg [dreg:$0x2];
	[bflag:$0x3] =	sbarrier.arrive $0xFFFF;
	s2 =	simm.s32 @!p0 $0x1C04  }
0x7c: {  	[timem:s3], [sflag:s2] =	dma.local @!p0 [hbm:s0], s1  }
0x7d: {  	s0 =	simm.s32 @!p0 $0x4  }
0x7e: {  	_ =	swait.ge @!p0 [sflag:s0], s1  }
0x7f: {  	s1 =	ssub.s32 @!p0 $0x0, s1;
	[sflag:s0] =	ssyncset.done @!p0 $0x0  }
0x80: {  	[sflag:s0] =	ssyncadd.s32 @!p0 s1  }
0x81: {  	[bflag:$0x3] =	sbarrier.arrive $0xFFFF  }
0x82: {  	_ =	shalt  }

</sc_bundles>
